<compile_context>
chip_gen: v7x
topology: tpu7x:2x2x1
jax: 0.10.2.dev20260603
libtpu: 0.0.44.dev20260713+nightly
codegen_flags: <defaults>
</compile_context>

<pallas_src>
import jax
import jax.numpy as jnp
from jax import lax
from jax.experimental import pallas as pl
from jax.experimental.pallas import tpu as pltpu
from jax.experimental.pallas import tpu_sc as plsc

_CW = 2048
_BANDS = 8
_WPB = 4
_SLOTS = 4


def _sc_body(x_hbm, o_hbm, bufs, tailbuf, sem_in, sem_out, sem_tail):
    n = x_hbm.shape[1]
    fb = n // _CW
    tail = n - fb * _CW
    pw = fb // _WPB

    wid = lax.axis_index("s") * 2 + lax.axis_index("c")
    band = wid // _WPB
    r0 = 8 * band
    j0 = (wid % _WPB) * pw

    def in_copy(t, s):
        return pltpu.make_async_copy(
            x_hbm.at[pl.ds(r0, 8), pl.ds((j0 + t) * _CW, _CW)],
            bufs.at[s], sem_in.at[s])

    def out_copy(t, s):
        return pltpu.make_async_copy(
            bufs.at[s], o_hbm.at[pl.ds(r0, 8), pl.ds((j0 + t) * _CW, _CW)],
            sem_out.at[s])

    tr0 = 8 * wid

    def tail_in():
        return pltpu.make_async_copy(
            x_hbm.at[pl.ds(tr0, 8), pl.ds(fb * _CW, tail)], tailbuf, sem_tail)

    def tail_out():
        return pltpu.make_async_copy(
            tailbuf, o_hbm.at[pl.ds(tr0, 8), pl.ds(fb * _CW, tail)], sem_tail)

    @pl.when(wid < _BANDS)
    def _start_tail():
        tail_in().start()

    for j in range(min(2, pw)):
        in_copy(j, j).start()

    def step(t, _):
        j = t + 2

        @pl.when(j < pw)
        def _refill():
            s_j = lax.rem(j, _SLOTS)

            @pl.when(j >= _SLOTS)
            def _free():
                out_copy(j - _SLOTS, s_j).wait()

            in_copy(j, s_j).start()

        s = lax.rem(t, _SLOTS)
        in_copy(t, s).wait()

        @pl.when((t == 0) & (wid == 0))
        def _patch():
            v = bufs[0, 0, 0:16]
            lane = lax.broadcasted_iota(jnp.int32, (16,), 0)
            v = jnp.where(lane == 0, jnp.float32(88.0), v)
            v = jnp.where(lane == 1, jnp.float32(99.0), v)
            bufs[0, 0, 0:16] = v

        out_copy(t, s).start()
        return 0

    lax.fori_loop(0, pw, step, 0)

    for t in range(max(0, pw - _SLOTS), pw):
        out_copy(t, t % _SLOTS).wait()

    @pl.when(wid < _BANDS)
    def _finish_tail():
        tail_in().wait()
        tail_out().start()
        tail_out().wait()


def kernel(x):
    n, d = x.shape
    xt = x.T
    fb = n // _CW
    tail = n - fb * _CW
    mesh = plsc.VectorSubcoreMesh(core_axis_name="c", subcore_axis_name="s")
    f = pl.kernel(
        _sc_body,
        out_type=jax.ShapeDtypeStruct((d, n), x.dtype),
        mesh=mesh,
        scratch_types=[
            pltpu.VMEM((_SLOTS, 8, _CW), x.dtype),
            pltpu.VMEM((8, tail), x.dtype),
            pltpu.SemaphoreType.DMA((_SLOTS,)),
            pltpu.SemaphoreType.DMA((_SLOTS,)),
            pltpu.SemaphoreType.DMA,
        ],
    )
    return f(xt).T

# --- scband reference (transcript-rebuilt; emitter-appended) ---
"""Pipeline reference for scband-scatter-elements-axis0-test-model-7550552506554 (READ-ONLY COPY).

The authoritative reference and input builder live on the scoring server;
editing this copy changes nothing except your own understanding.
"""

import jax, jax.numpy as jnp
import numpy as np

def setup_inputs(seed: int = 0) -> dict:
    key = jax.random.key(seed)
    x = jax.random.normal(key, (1000000, 64), dtype=jnp.float32)
    return {"x": x}

def reference(x):
    # Faithful translation of torch.scatter(dim=0, idx, src):
    #   out = x.clone(); out[idx[i][j], j] = src[i][j]
    idx = jnp.array([[1], [0]], dtype=jnp.int32)
    src = jnp.array([[99.0], [88.0]], dtype=x.dtype)
    cols = jnp.broadcast_to(jnp.arange(idx.shape[1], dtype=jnp.int32), idx.shape)
    out = x.at[idx, cols].set(src)
    return out

if __name__ == "__main__":
    import jax
    _d = setup_inputs()
    print(jax.jit(kernel)(*tuple(_d.values())))

</pallas_src>

<mosaic_0001>
#map = affine_map<(d0, d1) -> (0, 0)>
module attributes {stable_mosaic.version = 14 : i64} {
  func.func @_sc_body(%arg0: i32, %arg1: i32, %arg2: memref<64x1000000xf32, #tpu.memory_space<hbm>>, %arg3: memref<64x1000000xf32, #tpu.memory_space<hbm>>, %arg4: memref<4x8x2048xf32, #tpu.memory_space<vmem>>, %arg5: memref<8x576xf32, #tpu.memory_space<vmem>>, %arg6: memref<4x!tpu.dma_semaphore, #tpu.memory_space<semaphore_mem>>, %arg7: memref<4x!tpu.dma_semaphore, #tpu.memory_space<semaphore_mem>>, %arg8: memref<!tpu.dma_semaphore, #tpu.memory_space<semaphore_mem>>) attributes {dimension_semantics = [#tpu.dimension_semantics<core_parallel>, #tpu.dimension_semantics<subcore_parallel>], iteration_bounds = array<i64: 2, 16>, scalar_prefetch = 0 : i64, scratch_operands = 5 : i64, tpu.core_type = #tpu.core_type<sc_vector_subcore>, window_params = [{transform_indices = #map}, {transform_indices = #map}]} {
    %mul3A = arith.constant 2 : i32
    %mul3A_0 = arith.muli %arg1, %mul3A : i32
    %add3A = arith.addi %mul3A_0, %arg0 : i32
    %jit3A = arith.constant 4 : i32
    %div3A = arith.divsi %add3A, %jit3A : i32
    %sign3A = arith.constant 0 : i32
    %sign3A_1 = arith.cmpi sgt, %add3A, %sign3A : i32
    %sign3A_2 = arith.extui %sign3A_1 : i1 to i32
    %sign3A_3 = arith.constant 0 : i32
    %sign3A_4 = arith.cmpi slt, %add3A, %sign3A_3 : i32
    %sign3A_5 = arith.extui %sign3A_4 : i1 to i32
    %sign3A_6 = arith.subi %sign3A_2, %sign3A_5 : i32
    %sign3A_7 = arith.constant 0 : i32
    %sign3A_8 = arith.cmpi sgt, %jit3A, %sign3A_7 : i32
    %sign3A_9 = arith.extui %sign3A_8 : i1 to i32
    %sign3A_10 = arith.constant 0 : i32
    %sign3A_11 = arith.cmpi slt, %jit3A, %sign3A_10 : i32
    %sign3A_12 = arith.extui %sign3A_11 : i1 to i32
    %sign3A_13 = arith.subi %sign3A_9, %sign3A_12 : i32
    %ne3A = arith.cmpi ne, %sign3A_6, %sign3A_13 : i32
    %rem3A = arith.remsi %add3A, %jit3A : i32
    %ne3A_14 = arith.constant 0 : i32
    %ne3A_15 = arith.cmpi ne, %rem3A, %ne3A_14 : i32
    %and3A = arith.andi %ne3A, %ne3A_15 : i1
    %sub3A = arith.constant 1 : i32
    %sub3A_16 = arith.subi %div3A, %sub3A : i32
    %select_n3A = arith.select %and3A, %sub3A_16, %div3A : i32
    %mul3A_17 = arith.constant 8 : i32
    %mul3A_18 = arith.muli %mul3A_17, %select_n3A : i32
    %jit3A_19 = arith.constant 4 : i32
    %eq3A = arith.constant 0 : i32
    %eq3A_20 = arith.cmpi eq, %jit3A_19, %eq3A : i32
    %jit3A_21 = arith.constant 1 : i32
    %select_n3A_22 = arith.select %eq3A_20, %jit3A_21, %jit3A_19 : i32
    %rem3A_23 = arith.remsi %add3A, %select_n3A_22 : i32
    %ne3A_24 = arith.constant 0 : i32
    %ne3A_25 = arith.cmpi ne, %rem3A_23, %ne3A_24 : i32
    %lt3A = arith.constant 0 : i32
    %lt3A_26 = arith.cmpi slt, %rem3A_23, %lt3A : i32
    %lt3A_27 = arith.constant 0 : i32
    %lt3A_28 = arith.cmpi slt, %select_n3A_22, %lt3A_27 : i32
    %ne3A_29 = arith.xori %lt3A_26, %lt3A_28 : i1
    %and3A_30 = arith.andi %ne3A_29, %ne3A_25 : i1
    %add3A_31 = arith.addi %rem3A_23, %select_n3A_22 : i32
    %select_n3A_32 = arith.select %and3A_30, %add3A_31, %rem3A_23 : i32
    %mul3A_33 = arith.constant 122 : i32
    %mul3A_34 = arith.muli %select_n3A_32, %mul3A_33 : i32
    %mul3A_35 = arith.constant 8 : i32
    %mul3A_36 = arith.muli %mul3A_35, %add3A : i32
    %lt3A_37 = arith.constant 8 : i32
    %lt3A_38 = arith.cmpi slt, %add3A, %lt3A_37 : i32
    %convert_element_type3A = arith.extui %lt3A_38 : i1 to i32
    %cond3A = arith.constant 0 : i32
    %cond3A_39 = arith.cmpi ne, %convert_element_type3A, %cond3A : i32
    scf.if %cond3A_39 {
      %dma_start3A_157 = arith.constant 999424 : i32
      %dma_start3A_158 = tpu.memref_slice %arg2[%mul3A_36, %dma_start3A_157] : memref<64x1000000xf32, #tpu.memory_space<hbm>> -> memref<8x576xf32, #tpu.memory_space<hbm>>
      %dma_start3A_159 = arith.constant 999424 : i32
      %dma_start3A_160 = tpu.memref_slice %arg2[%mul3A_36, %dma_start3A_159] : memref<64x1000000xf32, #tpu.memory_space<hbm>> -> memref<8x576xf32, #tpu.memory_space<hbm>>
      tpu.enqueue_dma source(%dma_start3A_160 : memref<8x576xf32, #tpu.memory_space<hbm>>) target(%arg5 : memref<8x576xf32, #tpu.memory_space<vmem>>) target_semaphore(%arg8 : memref<!tpu.dma_semaphore, #tpu.memory_space<semaphore_mem>>)
    } else {
    }
    %add3A_40 = arith.constant 0 : i32
    %add3A_41 = arith.addi %mul3A_34, %add3A_40 : i32
    %mul3A_42 = arith.constant 2048 : i32
    %mul3A_43 = arith.muli %add3A_41, %mul3A_42 : i32
    %dma_start3A = arith.constant 0 : i32
    %dma_start3A_44 = arith.constant 0 : i32
    %dma_start3A_45 = arith.constant 0 : i32
    %dma_start3A_46 = arith.constant 0 : i32
    %dma_start3A_47 = tpu.memref_slice %arg4[%dma_start3A, %dma_start3A_45, %dma_start3A_46] : memref<4x8x2048xf32, #tpu.memory_space<vmem>> -> memref<1x8x2048xf32, #tpu.memory_space<vmem>>
    %dma_start3A_48 = tpu.memref_squeeze %dma_start3A_47 : memref<1x8x2048xf32, #tpu.memory_space<vmem>> -> memref<8x2048xf32, #tpu.memory_space<vmem>>
    %dma_start3A_49 = tpu.memref_slice %arg2[%mul3A_18, %mul3A_43] : memref<64x1000000xf32, #tpu.memory_space<hbm>> -> memref<8x2048xf32, #tpu.memory_space<hbm>>
    %dma_start3A_50 = tpu.memref_slice %arg6[%dma_start3A_44] : memref<4x!tpu.dma_semaphore, #tpu.memory_space<semaphore_mem>> -> memref<1x!tpu.dma_semaphore, #tpu.memory_space<semaphore_mem>>
    %dma_start3A_51 = tpu.memref_squeeze %dma_start3A_50 : memref<1x!tpu.dma_semaphore, #tpu.memory_space<semaphore_mem>> -> memref<!tpu.dma_semaphore, #tpu.memory_space<semaphore_mem>>
    %dma_start3A_52 = arith.constant 0 : i32
    %dma_start3A_53 = arith.constant 0 : i32
    %dma_start3A_54 = tpu.memref_slice %arg4[%dma_start3A, %dma_start3A_52, %dma_start3A_53] : memref<4x8x2048xf32, #tpu.memory_space<vmem>> -> memref<1x8x2048xf32, #tpu.memory_space<vmem>>
    %dma_start3A_55 = tpu.memref_squeeze %dma_start3A_54 : memref<1x8x2048xf32, #tpu.memory_space<vmem>> -> memref<8x2048xf32, #tpu.memory_space<vmem>>
    %dma_start3A_56 = tpu.memref_slice %arg2[%mul3A_18, %mul3A_43] : memref<64x1000000xf32, #tpu.memory_space<hbm>> -> memref<8x2048xf32, #tpu.memory_space<hbm>>
    tpu.enqueue_dma source(%dma_start3A_56 : memref<8x2048xf32, #tpu.memory_space<hbm>>) target(%dma_start3A_55 : memref<8x2048xf32, #tpu.memory_space<vmem>>) target_semaphore(%dma_start3A_51 : memref<!tpu.dma_semaphore, #tpu.memory_space<semaphore_mem>>)
    %add3A_57 = arith.constant 1 : i32
    %add3A_58 = arith.addi %mul3A_34, %add3A_57 : i32
    %mul3A_59 = arith.constant 2048 : i32
    %mul3A_60 = arith.muli %add3A_58, %mul3A_59 : i32
    %dma_start3A_61 = arith.constant 1 : i32
    %dma_start3A_62 = arith.constant 1 : i32
    %dma_start3A_63 = arith.constant 0 : i32
    %dma_start3A_64 = arith.constant 0 : i32
    %dma_start3A_65 = tpu.memref_slice %arg4[%dma_start3A_61, %dma_start3A_63, %dma_start3A_64] : memref<4x8x2048xf32, #tpu.memory_space<vmem>> -> memref<1x8x2048xf32, #tpu.memory_space<vmem>>
    %dma_start3A_66 = tpu.memref_squeeze %dma_start3A_65 : memref<1x8x2048xf32, #tpu.memory_space<vmem>> -> memref<8x2048xf32, #tpu.memory_space<vmem>>
    %dma_start3A_67 = tpu.memref_slice %arg2[%mul3A_18, %mul3A_60] : memref<64x1000000xf32, #tpu.memory_space<hbm>> -> memref<8x2048xf32, #tpu.memory_space<hbm>>
    %dma_start3A_68 = tpu.memref_slice %arg6[%dma_start3A_62] : memref<4x!tpu.dma_semaphore, #tpu.memory_space<semaphore_mem>> -> memref<1x!tpu.dma_semaphore, #tpu.memory_space<semaphore_mem>>
    %dma_start3A_69 = tpu.memref_squeeze %dma_start3A_68 : memref<1x!tpu.dma_semaphore, #tpu.memory_space<semaphore_mem>> -> memref<!tpu.dma_semaphore, #tpu.memory_space<semaphore_mem>>
    %dma_start3A_70 = arith.constant 0 : i32
    %dma_start3A_71 = arith.constant 0 : i32
    %dma_start3A_72 = tpu.memref_slice %arg4[%dma_start3A_61, %dma_start3A_70, %dma_start3A_71] : memref<4x8x2048xf32, #tpu.memory_space<vmem>> -> memref<1x8x2048xf32, #tpu.memory_space<vmem>>
    %dma_start3A_73 = tpu.memref_squeeze %dma_start3A_72 : memref<1x8x2048xf32, #tpu.memory_space<vmem>> -> memref<8x2048xf32, #tpu.memory_space<vmem>>
    %dma_start3A_74 = tpu.memref_slice %arg2[%mul3A_18, %mul3A_60] : memref<64x1000000xf32, #tpu.memory_space<hbm>> -> memref<8x2048xf32, #tpu.memory_space<hbm>>
    tpu.enqueue_dma source(%dma_start3A_74 : memref<8x2048xf32, #tpu.memory_space<hbm>>) target(%dma_start3A_73 : memref<8x2048xf32, #tpu.memory_space<vmem>>) target_semaphore(%dma_start3A_69 : memref<!tpu.dma_semaphore, #tpu.memory_space<semaphore_mem>>)
    %scan3A = arith.constant 0 : i32
    %scan3A_75 = arith.constant 0 : i32
    %scan3A_76 = arith.constant 122 : i32
    %scan3A_77 = arith.addi %scan3A_75, %scan3A_76 : i32
    %scan3A_78 = arith.constant 1 : i32
    %scan3A_79 = scf.for %scan3A_157 = %scan3A_75 to %scan3A_77 step %scan3A_78 iter_args(%scan3A_158 = %scan3A) -> (i32)  : i32 {
      %add3A_159 = arith.constant 2 : i32
      %add3A_160 = arith.addi %scan3A_157, %add3A_159 : i32
      %lt3A_161 = arith.constant 122 : i32
      %lt3A_162 = arith.cmpi slt, %add3A_160, %lt3A_161 : i32
      %convert_element_type3A_163 = arith.extui %lt3A_162 : i1 to i32
      %cond3A_164 = arith.constant 0 : i32
      %cond3A_165 = arith.cmpi ne, %convert_element_type3A_163, %cond3A_164 : i32
      scf.if %cond3A_165 {
        %rem3A_207 = arith.constant 4 : i32
        %rem3A_208 = arith.remsi %add3A_160, %rem3A_207 : i32
        %ge3A = arith.constant 4 : i32
        %ge3A_209 = arith.cmpi sge, %add3A_160, %ge3A : i32
        %convert_element_type3A_210 = arith.extui %ge3A_209 : i1 to i32
        %cond3A_211 = arith.constant 0 : i32
        %cond3A_212 = arith.cmpi ne, %convert_element_type3A_210, %cond3A_211 : i32
        scf.if %cond3A_212 {
          %sub3A_228 = arith.constant 4 : i32
          %sub3A_229 = arith.subi %add3A_160, %sub3A_228 : i32
          %add3A_230 = arith.addi %mul3A_34, %sub3A_229 : i32
          %mul3A_231 = arith.constant 2048 : i32
          %mul3A_232 = arith.muli %add3A_230, %mul3A_231 : i32
          %dma_wait3A_233 = arith.constant 0 : i32
          %dma_wait3A_234 = arith.constant 0 : i32
          %dma_wait3A_235 = tpu.memref_slice %arg4[%rem3A_208, %dma_wait3A_233, %dma_wait3A_234] : memref<4x8x2048xf32, #tpu.memory_space<vmem>> -> memref<1x8x2048xf32, #tpu.memory_space<vmem>>
          %dma_wait3A_236 = tpu.memref_squeeze %dma_wait3A_235 : memref<1x8x2048xf32, #tpu.memory_space<vmem>> -> memref<8x2048xf32, #tpu.memory_space<vmem>>
          %dma_wait3A_237 = tpu.memref_slice %arg3[%mul3A_18, %mul3A_232] : memref<64x1000000xf32, #tpu.memory_space<hbm>> -> memref<8x2048xf32, #tpu.memory_space<hbm>>
          %dma_wait3A_238 = tpu.memref_slice %arg7[%rem3A_208] : memref<4x!tpu.dma_semaphore, #tpu.memory_space<semaphore_mem>> -> memref<1x!tpu.dma_semaphore, #tpu.memory_space<semaphore_mem>>
          %dma_wait3A_239 = tpu.memref_squeeze %dma_wait3A_238 : memref<1x!tpu.dma_semaphore, #tpu.memory_space<semaphore_mem>> -> memref<!tpu.dma_semaphore, #tpu.memory_space<semaphore_mem>>
          %dma_wait3A_240 = tpu.memref_slice %arg3[%mul3A_18, %mul3A_232] : memref<64x1000000xf32, #tpu.memory_space<hbm>> -> memref<8x2048xf32, #tpu.memory_space<hbm>>
          %dma_wait3A_241 = arith.constant 0 : i32
          %dma_wait3A_242 = arith.constant 0 : i32
          %dma_wait3A_243 = tpu.memref_slice %arg4[%rem3A_208, %dma_wait3A_241, %dma_wait3A_242] : memref<4x8x2048xf32, #tpu.memory_space<vmem>> -> memref<1x8x2048xf32, #tpu.memory_space<vmem>>
          %dma_wait3A_244 = tpu.memref_squeeze %dma_wait3A_243 : memref<1x8x2048xf32, #tpu.memory_space<vmem>> -> memref<8x2048xf32, #tpu.memory_space<vmem>>
          tpu.wait_dma2 semaphore(%dma_wait3A_239 : memref<!tpu.dma_semaphore, #tpu.memory_space<semaphore_mem>>) src(%dma_wait3A_244 : memref<8x2048xf32, #tpu.memory_space<vmem>>) dst(%dma_wait3A_240 : memref<8x2048xf32, #tpu.memory_space<hbm>>)
        } else {
        }
        %add3A_213 = arith.addi %mul3A_34, %add3A_160 : i32
        %mul3A_214 = arith.constant 2048 : i32
        %mul3A_215 = arith.muli %add3A_213, %mul3A_214 : i32
        %dma_start3A_216 = arith.constant 0 : i32
        %dma_start3A_217 = arith.constant 0 : i32
        %dma_start3A_218 = tpu.memref_slice %arg4[%rem3A_208, %dma_start3A_216, %dma_start3A_217] : memref<4x8x2048xf32, #tpu.memory_space<vmem>> -> memref<1x8x2048xf32, #tpu.memory_space<vmem>>
        %dma_start3A_219 = tpu.memref_squeeze %dma_start3A_218 : memref<1x8x2048xf32, #tpu.memory_space<vmem>> -> memref<8x2048xf32, #tpu.memory_space<vmem>>
        %dma_start3A_220 = tpu.memref_slice %arg2[%mul3A_18, %mul3A_215] : memref<64x1000000xf32, #tpu.memory_space<hbm>> -> memref<8x2048xf32, #tpu.memory_space<hbm>>
        %dma_start3A_221 = tpu.memref_slice %arg6[%rem3A_208] : memref<4x!tpu.dma_semaphore, #tpu.memory_space<semaphore_mem>> -> memref<1x!tpu.dma_semaphore, #tpu.memory_space<semaphore_mem>>
        %dma_start3A_222 = tpu.memref_squeeze %dma_start3A_221 : memref<1x!tpu.dma_semaphore, #tpu.memory_space<semaphore_mem>> -> memref<!tpu.dma_semaphore, #tpu.memory_space<semaphore_mem>>
        %dma_start3A_223 = arith.constant 0 : i32
        %dma_start3A_224 = arith.constant 0 : i32
        %dma_start3A_225 = tpu.memref_slice %arg4[%rem3A_208, %dma_start3A_223, %dma_start3A_224] : memref<4x8x2048xf32, #tpu.memory_space<vmem>> -> memref<1x8x2048xf32, #tpu.memory_space<vmem>>
        %dma_start3A_226 = tpu.memref_squeeze %dma_start3A_225 : memref<1x8x2048xf32, #tpu.memory_space<vmem>> -> memref<8x2048xf32, #tpu.memory_space<vmem>>
        %dma_start3A_227 = tpu.memref_slice %arg2[%mul3A_18, %mul3A_215] : memref<64x1000000xf32, #tpu.memory_space<hbm>> -> memref<8x2048xf32, #tpu.memory_space<hbm>>
        tpu.enqueue_dma source(%dma_start3A_227 : memref<8x2048xf32, #tpu.memory_space<hbm>>) target(%dma_start3A_226 : memref<8x2048xf32, #tpu.memory_space<vmem>>) target_semaphore(%dma_start3A_222 : memref<!tpu.dma_semaphore, #tpu.memory_space<semaphore_mem>>)
      } else {
      }
      %rem3A_166 = arith.constant 4 : i32
      %rem3A_167 = arith.remsi %scan3A_157, %rem3A_166 : i32
      %add3A_168 = arith.addi %mul3A_34, %scan3A_157 : i32
      %mul3A_169 = arith.constant 2048 : i32
      %mul3A_170 = arith.muli %add3A_168, %mul3A_169 : i32
      %dma_wait3A_171 = arith.constant 0 : i32
      %dma_wait3A_172 = arith.constant 0 : i32
      %dma_wait3A_173 = tpu.memref_slice %arg4[%rem3A_167, %dma_wait3A_171, %dma_wait3A_172] : memref<4x8x2048xf32, #tpu.memory_space<vmem>> -> memref<1x8x2048xf32, #tpu.memory_space<vmem>>
      %dma_wait3A_174 = tpu.memref_squeeze %dma_wait3A_173 : memref<1x8x2048xf32, #tpu.memory_space<vmem>> -> memref<8x2048xf32, #tpu.memory_space<vmem>>
      %dma_wait3A_175 = tpu.memref_slice %arg2[%mul3A_18, %mul3A_170] : memref<64x1000000xf32, #tpu.memory_space<hbm>> -> memref<8x2048xf32, #tpu.memory_space<hbm>>
      %dma_wait3A_176 = tpu.memref_slice %arg6[%rem3A_167] : memref<4x!tpu.dma_semaphore, #tpu.memory_space<semaphore_mem>> -> memref<1x!tpu.dma_semaphore, #tpu.memory_space<semaphore_mem>>
      %dma_wait3A_177 = tpu.memref_squeeze %dma_wait3A_176 : memref<1x!tpu.dma_semaphore, #tpu.memory_space<semaphore_mem>> -> memref<!tpu.dma_semaphore, #tpu.memory_space<semaphore_mem>>
      %dma_wait3A_178 = arith.constant 0 : i32
      %dma_wait3A_179 = arith.constant 0 : i32
      %dma_wait3A_180 = tpu.memref_slice %arg4[%rem3A_167, %dma_wait3A_178, %dma_wait3A_179] : memref<4x8x2048xf32, #tpu.memory_space<vmem>> -> memref<1x8x2048xf32, #tpu.memory_space<vmem>>
      %dma_wait3A_181 = tpu.memref_squeeze %dma_wait3A_180 : memref<1x8x2048xf32, #tpu.memory_space<vmem>> -> memref<8x2048xf32, #tpu.memory_space<vmem>>
      %dma_wait3A_182 = tpu.memref_slice %arg2[%mul3A_18, %mul3A_170] : memref<64x1000000xf32, #tpu.memory_space<hbm>> -> memref<8x2048xf32, #tpu.memory_space<hbm>>
      tpu.wait_dma2 semaphore(%dma_wait3A_177 : memref<!tpu.dma_semaphore, #tpu.memory_space<semaphore_mem>>) src(%dma_wait3A_182 : memref<8x2048xf32, #tpu.memory_space<hbm>>) dst(%dma_wait3A_181 : memref<8x2048xf32, #tpu.memory_space<vmem>>)
      %eq3A_183 = arith.constant 0 : i32
      %eq3A_184 = arith.cmpi eq, %scan3A_157, %eq3A_183 : i32
      %eq3A_185 = arith.constant 0 : i32
      %eq3A_186 = arith.cmpi eq, %add3A, %eq3A_185 : i32
      %and3A_187 = arith.andi %eq3A_184, %eq3A_186 : i1
      %convert_element_type3A_188 = arith.extui %and3A_187 : i1 to i32
      %cond3A_189 = arith.constant 0 : i32
      %cond3A_190 = arith.cmpi ne, %convert_element_type3A_188, %cond3A_189 : i32
      scf.if %cond3A_190 {
        %get3A = arith.constant 0 : i32
        %get3A_207 = arith.constant 0 : i32
        %get3A_208 = arith.index_cast %get3A : i32 to index
        %get3A_209 = arith.index_cast %get3A_207 : i32 to index
        %get3A_210 = arith.constant 0 : index
        %get3A_211 = tpu.vector_load %arg4[%get3A_208, %get3A_209, %get3A_210] {strides = array<i32>} : memref<4x8x2048xf32, #tpu.memory_space<vmem>>, vector<1x1x16xf32>,
        %get3A_212 = vector.shape_cast %get3A_211 : vector<1x1x16xf32> to vector<16xf32>
        %iota3A = tpu.iota {dimensions = array<i32: 0>} : vector<16xi32>
        %eq3A_213 = arith.constant 0 : i32
        %eq3A_214 = vector.broadcast %eq3A_213 : i32 to vector<16xi32>
        %eq3A_215 = arith.cmpi eq, %iota3A, %eq3A_214 : vector<16xi32>
        %jit3A_216 = arith.constant 8.800000e+01 : f32
        %broadcast_in_dim3A = vector.broadcast %jit3A_216 : f32 to vector<16xf32>
        %select_n3A_217 = arith.select %eq3A_215, %broadcast_in_dim3A, %get3A_212 : vector<16xi1>, vector<16xf32>
        %eq3A_218 = arith.constant 1 : i32
        %eq3A_219 = vector.broadcast %eq3A_218 : i32 to vector<16xi32>
        %eq3A_220 = arith.cmpi eq, %iota3A, %eq3A_219 : vector<16xi32>
        %jit3A_221 = arith.constant 9.900000e+01 : f32
        %broadcast_in_dim3A_222 = vector.broadcast %jit3A_221 : f32 to vector<16xf32>
        %select_n3A_223 = arith.select %eq3A_220, %broadcast_in_dim3A_222, %select_n3A_217 : vector<16xi1>, vector<16xf32>
        %swap3A = arith.constant 0 : i32
        %swap3A_224 = arith.constant 0 : i32
        %swap3A_225 = arith.index_cast %swap3A : i32 to index
        %swap3A_226 = arith.index_cast %swap3A_224 : i32 to index
        %swap3A_227 = arith.constant 0 : index
        %swap3A_228 = tpu.vector_load %arg4[%swap3A_225, %swap3A_226, %swap3A_227] {strides = array<i32>} : memref<4x8x2048xf32, #tpu.memory_space<vmem>>, vector<1x1x16xf32>,
        %swap3A_229 = vector.shape_cast %swap3A_228 : vector<1x1x16xf32> to vector<16xf32>
        %swap3A_230 = vector.shape_cast %select_n3A_223 : vector<16xf32> to vector<1x1x16xf32>
        tpu.vector_store %arg4[%swap3A_225, %swap3A_226, %swap3A_227], %swap3A_230 {strides = array<i32>} : memref<4x8x2048xf32, #tpu.memory_space<vmem>>, vector<1x1x16xf32>,
      } else {
      }
      %add3A_191 = arith.addi %mul3A_34, %scan3A_157 : i32
      %mul3A_192 = arith.constant 2048 : i32
      %mul3A_193 = arith.muli %add3A_191, %mul3A_192 : i32
      %dma_start3A_194 = arith.constant 0 : i32
      %dma_start3A_195 = arith.constant 0 : i32
      %dma_start3A_196 = tpu.memref_slice %arg4[%rem3A_167, %dma_start3A_194, %dma_start3A_195] : memref<4x8x2048xf32, #tpu.memory_space<vmem>> -> memref<1x8x2048xf32, #tpu.memory_space<vmem>>
      %dma_start3A_197 = tpu.memref_squeeze %dma_start3A_196 : memref<1x8x2048xf32, #tpu.memory_space<vmem>> -> memref<8x2048xf32, #tpu.memory_space<vmem>>
      %dma_start3A_198 = tpu.memref_slice %arg3[%mul3A_18, %mul3A_193] : memref<64x1000000xf32, #tpu.memory_space<hbm>> -> memref<8x2048xf32, #tpu.memory_space<hbm>>
      %dma_start3A_199 = tpu.memref_slice %arg7[%rem3A_167] : memref<4x!tpu.dma_semaphore, #tpu.memory_space<semaphore_mem>> -> memref<1x!tpu.dma_semaphore, #tpu.memory_space<semaphore_mem>>
      %dma_start3A_200 = tpu.memref_squeeze %dma_start3A_199 : memref<1x!tpu.dma_semaphore, #tpu.memory_space<semaphore_mem>> -> memref<!tpu.dma_semaphore, #tpu.memory_space<semaphore_mem>>
      %dma_start3A_201 = tpu.memref_slice %arg3[%mul3A_18, %mul3A_193] : memref<64x1000000xf32, #tpu.memory_space<hbm>> -> memref<8x2048xf32, #tpu.memory_space<hbm>>
      %dma_start3A_202 = arith.constant 0 : i32
      %dma_start3A_203 = arith.constant 0 : i32
      %dma_start3A_204 = tpu.memref_slice %arg4[%rem3A_167, %dma_start3A_202, %dma_start3A_203] : memref<4x8x2048xf32, #tpu.memory_space<vmem>> -> memref<1x8x2048xf32, #tpu.memory_space<vmem>>
      %dma_start3A_205 = tpu.memref_squeeze %dma_start3A_204 : memref<1x8x2048xf32, #tpu.memory_space<vmem>> -> memref<8x2048xf32, #tpu.memory_space<vmem>>
      tpu.enqueue_dma source(%dma_start3A_205 : memref<8x2048xf32, #tpu.memory_space<vmem>>) target(%dma_start3A_201 : memref<8x2048xf32, #tpu.memory_space<hbm>>) target_semaphore(%dma_start3A_200 : memref<!tpu.dma_semaphore, #tpu.memory_space<semaphore_mem>>)
      %scan3A_206 = arith.constant 0 : i32
      scf.yield %scan3A_206 : i32
    }
    %scan3A_80 = arith.constant 122 : i32
    %add3A_81 = arith.constant 118 : i32
    %add3A_82 = arith.addi %mul3A_34, %add3A_81 : i32
    %mul3A_83 = arith.constant 2048 : i32
    %mul3A_84 = arith.muli %add3A_82, %mul3A_83 : i32
    %dma_wait3A = arith.constant 2 : i32
    %dma_wait3A_85 = arith.constant 2 : i32
    %dma_wait3A_86 = arith.constant 0 : i32
    %dma_wait3A_87 = arith.constant 0 : i32
    %dma_wait3A_88 = tpu.memref_slice %arg4[%dma_wait3A, %dma_wait3A_86, %dma_wait3A_87] : memref<4x8x2048xf32, #tpu.memory_space<vmem>> -> memref<1x8x2048xf32, #tpu.memory_space<vmem>>
    %dma_wait3A_89 = tpu.memref_squeeze %dma_wait3A_88 : memref<1x8x2048xf32, #tpu.memory_space<vmem>> -> memref<8x2048xf32, #tpu.memory_space<vmem>>
    %dma_wait3A_90 = tpu.memref_slice %arg3[%mul3A_18, %mul3A_84] : memref<64x1000000xf32, #tpu.memory_space<hbm>> -> memref<8x2048xf32, #tpu.memory_space<hbm>>
    %dma_wait3A_91 = tpu.memref_slice %arg7[%dma_wait3A_85] : memref<4x!tpu.dma_semaphore, #tpu.memory_space<semaphore_mem>> -> memref<1x!tpu.dma_semaphore, #tpu.memory_space<semaphore_mem>>
    %dma_wait3A_92 = tpu.memref_squeeze %dma_wait3A_91 : memref<1x!tpu.dma_semaphore, #tpu.memory_space<semaphore_mem>> -> memref<!tpu.dma_semaphore, #tpu.memory_space<semaphore_mem>>
    %dma_wait3A_93 = tpu.memref_slice %arg3[%mul3A_18, %mul3A_84] : memref<64x1000000xf32, #tpu.memory_space<hbm>> -> memref<8x2048xf32, #tpu.memory_space<hbm>>
    %dma_wait3A_94 = arith.constant 0 : i32
    %dma_wait3A_95 = arith.constant 0 : i32
    %dma_wait3A_96 = tpu.memref_slice %arg4[%dma_wait3A, %dma_wait3A_94, %dma_wait3A_95] : memref<4x8x2048xf32, #tpu.memory_space<vmem>> -> memref<1x8x2048xf32, #tpu.memory_space<vmem>>
    %dma_wait3A_97 = tpu.memref_squeeze %dma_wait3A_96 : memref<1x8x2048xf32, #tpu.memory_space<vmem>> -> memref<8x2048xf32, #tpu.memory_space<vmem>>
    tpu.wait_dma2 semaphore(%dma_wait3A_92 : memref<!tpu.dma_semaphore, #tpu.memory_space<semaphore_mem>>) src(%dma_wait3A_97 : memref<8x2048xf32, #tpu.memory_space<vmem>>) dst(%dma_wait3A_93 : memref<8x2048xf32, #tpu.memory_space<hbm>>)
    %add3A_98 = arith.constant 119 : i32
    %add3A_99 = arith.addi %mul3A_34, %add3A_98 : i32
    %mul3A_100 = arith.constant 2048 : i32
    %mul3A_101 = arith.muli %add3A_99, %mul3A_100 : i32
    %dma_wait3A_102 = arith.constant 3 : i32
    %dma_wait3A_103 = arith.constant 3 : i32
    %dma_wait3A_104 = arith.constant 0 : i32
    %dma_wait3A_105 = arith.constant 0 : i32
    %dma_wait3A_106 = tpu.memref_slice %arg4[%dma_wait3A_102, %dma_wait3A_104, %dma_wait3A_105] : memref<4x8x2048xf32, #tpu.memory_space<vmem>> -> memref<1x8x2048xf32, #tpu.memory_space<vmem>>
    %dma_wait3A_107 = tpu.memref_squeeze %dma_wait3A_106 : memref<1x8x2048xf32, #tpu.memory_space<vmem>> -> memref<8x2048xf32, #tpu.memory_space<vmem>>
    %dma_wait3A_108 = tpu.memref_slice %arg3[%mul3A_18, %mul3A_101] : memref<64x1000000xf32, #tpu.memory_space<hbm>> -> memref<8x2048xf32, #tpu.memory_space<hbm>>
    %dma_wait3A_109 = tpu.memref_slice %arg7[%dma_wait3A_103] : memref<4x!tpu.dma_semaphore, #tpu.memory_space<semaphore_mem>> -> memref<1x!tpu.dma_semaphore, #tpu.memory_space<semaphore_mem>>
    %dma_wait3A_110 = tpu.memref_squeeze %dma_wait3A_109 : memref<1x!tpu.dma_semaphore, #tpu.memory_space<semaphore_mem>> -> memref<!tpu.dma_semaphore, #tpu.memory_space<semaphore_mem>>
    %dma_wait3A_111 = tpu.memref_slice %arg3[%mul3A_18, %mul3A_101] : memref<64x1000000xf32, #tpu.memory_space<hbm>> -> memref<8x2048xf32, #tpu.memory_space<hbm>>
    %dma_wait3A_112 = arith.constant 0 : i32
    %dma_wait3A_113 = arith.constant 0 : i32
    %dma_wait3A_114 = tpu.memref_slice %arg4[%dma_wait3A_102, %dma_wait3A_112, %dma_wait3A_113] : memref<4x8x2048xf32, #tpu.memory_space<vmem>> -> memref<1x8x2048xf32, #tpu.memory_space<vmem>>
    %dma_wait3A_115 = tpu.memref_squeeze %dma_wait3A_114 : memref<1x8x2048xf32, #tpu.memory_space<vmem>> -> memref<8x2048xf32, #tpu.memory_space<vmem>>
    tpu.wait_dma2 semaphore(%dma_wait3A_110 : memref<!tpu.dma_semaphore, #tpu.memory_space<semaphore_mem>>) src(%dma_wait3A_115 : memref<8x2048xf32, #tpu.memory_space<vmem>>) dst(%dma_wait3A_111 : memref<8x2048xf32, #tpu.memory_space<hbm>>)
    %add3A_116 = arith.constant 120 : i32
    %add3A_117 = arith.addi %mul3A_34, %add3A_116 : i32
    %mul3A_118 = arith.constant 2048 : i32
    %mul3A_119 = arith.muli %add3A_117, %mul3A_118 : i32
    %dma_wait3A_120 = arith.constant 0 : i32
    %dma_wait3A_121 = arith.constant 0 : i32
    %dma_wait3A_122 = arith.constant 0 : i32
    %dma_wait3A_123 = arith.constant 0 : i32
    %dma_wait3A_124 = tpu.memref_slice %arg4[%dma_wait3A_120, %dma_wait3A_122, %dma_wait3A_123] : memref<4x8x2048xf32, #tpu.memory_space<vmem>> -> memref<1x8x2048xf32, #tpu.memory_space<vmem>>
    %dma_wait3A_125 = tpu.memref_squeeze %dma_wait3A_124 : memref<1x8x2048xf32, #tpu.memory_space<vmem>> -> memref<8x2048xf32, #tpu.memory_space<vmem>>
    %dma_wait3A_126 = tpu.memref_slice %arg3[%mul3A_18, %mul3A_119] : memref<64x1000000xf32, #tpu.memory_space<hbm>> -> memref<8x2048xf32, #tpu.memory_space<hbm>>
    %dma_wait3A_127 = tpu.memref_slice %arg7[%dma_wait3A_121] : memref<4x!tpu.dma_semaphore, #tpu.memory_space<semaphore_mem>> -> memref<1x!tpu.dma_semaphore, #tpu.memory_space<semaphore_mem>>
    %dma_wait3A_128 = tpu.memref_squeeze %dma_wait3A_127 : memref<1x!tpu.dma_semaphore, #tpu.memory_space<semaphore_mem>> -> memref<!tpu.dma_semaphore, #tpu.memory_space<semaphore_mem>>
    %dma_wait3A_129 = tpu.memref_slice %arg3[%mul3A_18, %mul3A_119] : memref<64x1000000xf32, #tpu.memory_space<hbm>> -> memref<8x2048xf32, #tpu.memory_space<hbm>>
    %dma_wait3A_130 = arith.constant 0 : i32
    %dma_wait3A_131 = arith.constant 0 : i32
    %dma_wait3A_132 = tpu.memref_slice %arg4[%dma_wait3A_120, %dma_wait3A_130, %dma_wait3A_131] : memref<4x8x2048xf32, #tpu.memory_space<vmem>> -> memref<1x8x2048xf32, #tpu.memory_space<vmem>>
    %dma_wait3A_133 = tpu.memref_squeeze %dma_wait3A_132 : memref<1x8x2048xf32, #tpu.memory_space<vmem>> -> memref<8x2048xf32, #tpu.memory_space<vmem>>
    tpu.wait_dma2 semaphore(%dma_wait3A_128 : memref<!tpu.dma_semaphore, #tpu.memory_space<semaphore_mem>>) src(%dma_wait3A_133 : memref<8x2048xf32, #tpu.memory_space<vmem>>) dst(%dma_wait3A_129 : memref<8x2048xf32, #tpu.memory_space<hbm>>)
    %add3A_134 = arith.constant 121 : i32
    %add3A_135 = arith.addi %mul3A_34, %add3A_134 : i32
    %mul3A_136 = arith.constant 2048 : i32
    %mul3A_137 = arith.muli %add3A_135, %mul3A_136 : i32
    %dma_wait3A_138 = arith.constant 1 : i32
    %dma_wait3A_139 = arith.constant 1 : i32
    %dma_wait3A_140 = arith.constant 0 : i32
    %dma_wait3A_141 = arith.constant 0 : i32
    %dma_wait3A_142 = tpu.memref_slice %arg4[%dma_wait3A_138, %dma_wait3A_140, %dma_wait3A_141] : memref<4x8x2048xf32, #tpu.memory_space<vmem>> -> memref<1x8x2048xf32, #tpu.memory_space<vmem>>
    %dma_wait3A_143 = tpu.memref_squeeze %dma_wait3A_142 : memref<1x8x2048xf32, #tpu.memory_space<vmem>> -> memref<8x2048xf32, #tpu.memory_space<vmem>>
    %dma_wait3A_144 = tpu.memref_slice %arg3[%mul3A_18, %mul3A_137] : memref<64x1000000xf32, #tpu.memory_space<hbm>> -> memref<8x2048xf32, #tpu.memory_space<hbm>>
    %dma_wait3A_145 = tpu.memref_slice %arg7[%dma_wait3A_139] : memref<4x!tpu.dma_semaphore, #tpu.memory_space<semaphore_mem>> -> memref<1x!tpu.dma_semaphore, #tpu.memory_space<semaphore_mem>>
    %dma_wait3A_146 = tpu.memref_squeeze %dma_wait3A_145 : memref<1x!tpu.dma_semaphore, #tpu.memory_space<semaphore_mem>> -> memref<!tpu.dma_semaphore, #tpu.memory_space<semaphore_mem>>
    %dma_wait3A_147 = tpu.memref_slice %arg3[%mul3A_18, %mul3A_137] : memref<64x1000000xf32, #tpu.memory_space<hbm>> -> memref<8x2048xf32, #tpu.memory_space<hbm>>
    %dma_wait3A_148 = arith.constant 0 : i32
    %dma_wait3A_149 = arith.constant 0 : i32
    %dma_wait3A_150 = tpu.memref_slice %arg4[%dma_wait3A_138, %dma_wait3A_148, %dma_wait3A_149] : memref<4x8x2048xf32, #tpu.memory_space<vmem>> -> memref<1x8x2048xf32, #tpu.memory_space<vmem>>
    %dma_wait3A_151 = tpu.memref_squeeze %dma_wait3A_150 : memref<1x8x2048xf32, #tpu.memory_space<vmem>> -> memref<8x2048xf32, #tpu.memory_space<vmem>>
    tpu.wait_dma2 semaphore(%dma_wait3A_146 : memref<!tpu.dma_semaphore, #tpu.memory_space<semaphore_mem>>) src(%dma_wait3A_151 : memref<8x2048xf32, #tpu.memory_space<vmem>>) dst(%dma_wait3A_147 : memref<8x2048xf32, #tpu.memory_space<hbm>>)
    %lt3A_152 = arith.constant 8 : i32
    %lt3A_153 = arith.cmpi slt, %add3A, %lt3A_152 : i32
    %convert_element_type3A_154 = arith.extui %lt3A_153 : i1 to i32
    %cond3A_155 = arith.constant 0 : i32
    %cond3A_156 = arith.cmpi ne, %convert_element_type3A_154, %cond3A_155 : i32
    scf.if %cond3A_156 {
      %dma_wait3A_157 = arith.constant 999424 : i32
      %dma_wait3A_158 = tpu.memref_slice %arg2[%mul3A_36, %dma_wait3A_157] : memref<64x1000000xf32, #tpu.memory_space<hbm>> -> memref<8x576xf32, #tpu.memory_space<hbm>>
      %dma_wait3A_159 = arith.constant 999424 : i32
      %dma_wait3A_160 = tpu.memref_slice %arg2[%mul3A_36, %dma_wait3A_159] : memref<64x1000000xf32, #tpu.memory_space<hbm>> -> memref<8x576xf32, #tpu.memory_space<hbm>>
      tpu.wait_dma2 semaphore(%arg8 : memref<!tpu.dma_semaphore, #tpu.memory_space<semaphore_mem>>) src(%dma_wait3A_160 : memref<8x576xf32, #tpu.memory_space<hbm>>) dst(%arg5 : memref<8x576xf32, #tpu.memory_space<vmem>>)
      %dma_start3A_161 = arith.constant 999424 : i32
      %dma_start3A_162 = tpu.memref_slice %arg3[%mul3A_36, %dma_start3A_161] : memref<64x1000000xf32, #tpu.memory_space<hbm>> -> memref<8x576xf32, #tpu.memory_space<hbm>>
      %dma_start3A_163 = arith.constant 999424 : i32
      %dma_start3A_164 = tpu.memref_slice %arg3[%mul3A_36, %dma_start3A_163] : memref<64x1000000xf32, #tpu.memory_space<hbm>> -> memref<8x576xf32, #tpu.memory_space<hbm>>
      tpu.enqueue_dma source(%arg5 : memref<8x576xf32, #tpu.memory_space<vmem>>) target(%dma_start3A_164 : memref<8x576xf32, #tpu.memory_space<hbm>>) target_semaphore(%arg8 : memref<!tpu.dma_semaphore, #tpu.memory_space<semaphore_mem>>)
      %dma_wait3A_165 = arith.constant 999424 : i32
      %dma_wait3A_166 = tpu.memref_slice %arg3[%mul3A_36, %dma_wait3A_165] : memref<64x1000000xf32, #tpu.memory_space<hbm>> -> memref<8x576xf32, #tpu.memory_space<hbm>>
      %dma_wait3A_167 = arith.constant 999424 : i32
      %dma_wait3A_168 = tpu.memref_slice %arg3[%mul3A_36, %dma_wait3A_167] : memref<64x1000000xf32, #tpu.memory_space<hbm>> -> memref<8x576xf32, #tpu.memory_space<hbm>>
      tpu.wait_dma2 semaphore(%arg8 : memref<!tpu.dma_semaphore, #tpu.memory_space<semaphore_mem>>) src(%arg5 : memref<8x576xf32, #tpu.memory_space<vmem>>) dst(%dma_wait3A_168 : memref<8x576xf32, #tpu.memory_space<hbm>>)
    } else {
    }
    return
  }
}

</mosaic_0001>

<sc_bundles>
// kernel: kernel.3.cloned.1.call-start
scs
__scs_entry_jumppad:
0x0: {  	(pc) =	sbr.rel $0x88, $3  }
0x1: {  	(tag) =	ssettag $0x0;
	lr =	simm.s32 $0x1  }
0x2: {  	[smem:$0x3FA0] =	sst lr;
	_ =	strace $0xD0000000  }
0x3: {  	_ = 	snop  }
0x4: {  	_ = 	snop  }
0x5: {  	_ = 	snop  }
0x6: {  	_ = 	snop  }
0x7: {  	_ = 	snop  }
__scs_overlays_trampoline_lowered:
0x8: {  	[smem:$0x3FAF] =	sst s0  }
0x9: {  	[smem:$0x3FB0] =	sst s1  }
0xa: {  	[smem:$0x3FB1] =	sst s2  }
0xb: {  	[smem:$0x3FB2] =	sst s3  }
0xc: {  	[smem:$0x3FB3] =	sst s4  }
0xd: {  	[smem:$0x3FB4] =	sst s5  }
0xe: {  	[smem:$0x3FB5] =	sst s6  }
0xf: {  	[smem:$0x3FB6] =	sst s7  }
0x10: {  	[smem:$0x3FB7] =	sst s8  }
0x11: {  	[smem:$0x3FB8] =	sst s9;
	s0 =	simm.s32 @!p0 $0x0  }
0x12: {  	s1 =	sld [smem:$0x3F9E];
	s0 =	simm.s32 @p0 $0x1  }
0x13: {  	[smem:$0x3FB9] =	sst s0;
	s0 =	simm.s32 @!p1 $0x0  }
0x14: {  	s2 =	sld [smem:$0x3F9D];
	s0 =	simm.s32 @p1 $0x1  }
0x15: {  	[smem:$0x3FBA] =	sst s0;
	s0 =	simm.s32 @!p2 $0x0  }
0x16: {  	s3 =	sld [smem:$0x3FDB];
	s0 =	simm.s32 @p2 $0x1  }
0x17: {  	s4 =	simm.s32 $0x1BF5;
	[smem:$0x3FBC] =	sst s0  }
0x18: {  	s0 =	sld [smem:$0x3F9F];
	_ =	swait.ge [sflag:s4], $0x0  }
0x19: {  	s7 =	sld [smem:$0x3FA0]  }
0x1a: {  	s8 =	sadd.s32 $0xFFFFE003, lr  }
0x1b: {  	s9 =	sadd.s32 $0xFFFFFEF7, lr;
	s5 =	simm.s32 $0xFFFFFFFF;
	p2 =	slt.u32 s8, $0xFFFFF086  }
0x1c: {  	p1 =	slt.u32 s9, $0xF7A;
	s5 =	simm.s32 @!p2 $0x0  }
0x1d: {  	s5 =	simm.s32 @p1 $0x1;
	p0 =	seq.s32 s7, s2  }
0x1e: {  	s7 =	smul.u32 @!p0 $0xF7A, s2;
	p2 =	seq.s32 @!p0 s5, $0x0  }
0x1f: {  	s9 =	smul.u32 $0xF7A, s1;
	s8 =	simm.s32 @!p0 $0x1BF5;
	p2 =	por !p2, p0  }
0x20: {  	[sflag:s8] =	ssyncset.s32 @!p0 $0xFFFFF086;
	s6 =	sadd.s32 @!p0 s3, s7;
	s7 =	simm.s32 @!p0 $0x108  }
0x21: {  	s3 =	sadd.s32 s3, s9;
	s6 =	sadd.s32 @!p0 $0x88, s6;
	s7 =	simm.s32 @p2 $0x1082  }
0x22: {  	[simem:s7], [sflag:s8] =	dma.local @!p0 [hbm:s6], $0xF7A  }
0x23: {  	s9 =	sor.u32 $0xD0000000, s2;
	s6 =	simm.s32 $0x108;
	_ =	swait.ge @!p0 [sflag:s8], $0x0  }
0x24: {  	s3 =	sadd.s32 $0x88, s3;
	s6 =	simm.s32 @!p1 $0x1082;
	[sflag:s4] =	ssyncset.s32 $0xFFFFF086  }
0x25: {  	[simem:s6], [sflag:s4] =	dma.local [hbm:s3], $0xF7A  }
0x26: {  	[smem:$0x3FA0] =	sst s1;
	(tag) =	ssettag s2;
	_ =	strace s9  }
0x27: {  	s1 =	sld [smem:$0x3FB0]  }
0x28: {  	s2 =	sld [smem:$0x3FB1]  }
0x29: {  	s4 =	sld [smem:$0x3FB3]  }
0x2a: {  	p0 =	seq.s32 s5, $0x0;
	s5 =	sld [smem:$0x3FB4]  }
0x2b: {  	s6 =	sld [smem:$0x3FB5]  }
0x2c: {  	s7 =	sld [smem:$0x3FB6]  }
0x2d: {  	s3 =	simm.s32 $0x108;
	s8 =	sld [smem:$0x3FB7]  }
0x2e: {  	s3 =	simm.s32 @!p0 $0x1082;
	s9 =	sld [smem:$0x3FB8]  }
0x2f: {  	lr =	sadd.s32 s0, s3;
	s0 =	sld [smem:$0x3FAF]  }
0x30: {  	s3 =	sld [smem:$0x3FB2]  }
0x31: {  	[smem:$0x3FBB] =	sst s10  }
0x32: {  	s10 =	sld [smem:$0x3FB9];
	_ =	sdelay $0x3  }
0x33: {  	p0 =	seq.s32 s10, $0x1;
	s10 =	sld [smem:$0x3FBB];
	_ =	sdelay $0x3  }
0x34: {  	[smem:$0x3FBB] =	sst s10  }
0x35: {  	s10 =	sld [smem:$0x3FBA];
	_ =	sdelay $0x3  }
0x36: {  	p1 =	seq.s32 s10, $0x1;
	s10 =	sld [smem:$0x3FBB];
	_ =	sdelay $0x3  }
0x37: {  	[smem:$0x3FBB] =	sst s10  }
0x38: {  	s10 =	sld [smem:$0x3FBC]  }
0x39: {  	_ = 	snop;
	(pc) =	sbr.ind lr, $3  }
0x3a: {  	_ = 	snop  }
0x3b: {  	_ = 	snop  }
0x3c: {  	p2 =	seq.s32 s10, $0x1;
	s10 =	sld [smem:$0x3FBB]  }
0x3d: {  	_ =	shalt  }
0x3e: {  	_ =	shalt  }
0x3f: {  	_ =	shalt  }
0x40: {  	_ =	shalt  }
0x41: {  	_ =	shalt  }
0x42: {  	_ =	shalt  }
0x43: {  	_ =	shalt  }
0x44: {  	_ =	shalt  }
0x45: {  	_ =	shalt  }
0x46: {  	_ =	shalt  }
0x47: {  	_ =	shalt  }
0x48: {  	_ =	shalt  }
0x49: {  	_ =	shalt  }
0x4a: {  	_ =	shalt  }
0x4b: {  	_ =	shalt  }
0x4c: {  	_ =	shalt  }
0x4d: {  	_ =	shalt  }
0x4e: {  	_ =	shalt  }
0x4f: {  	_ =	shalt  }
0x50: {  	_ =	shalt  }
0x51: {  	_ =	shalt  }
0x52: {  	_ =	shalt  }
0x53: {  	_ =	shalt  }
0x54: {  	_ =	shalt  }
0x55: {  	_ =	shalt  }
0x56: {  	_ =	shalt  }
0x57: {  	_ =	shalt  }
0x58: {  	_ =	shalt  }
0x59: {  	_ =	shalt  }
0x5a: {  	_ =	shalt  }
0x5b: {  	_ =	shalt  }
0x5c: {  	_ =	shalt  }
0x5d: {  	_ =	shalt  }
0x5e: {  	_ =	shalt  }
0x5f: {  	_ =	shalt  }
0x60: {  	_ =	shalt  }
0x61: {  	_ =	shalt  }
0x62: {  	_ =	shalt  }
0x63: {  	_ =	shalt  }
0x64: {  	_ =	shalt  }
0x65: {  	_ =	shalt  }
0x66: {  	_ =	shalt  }
0x67: {  	_ =	shalt  }
0x68: {  	_ =	shalt  }
0x69: {  	_ =	shalt  }
0x6a: {  	_ =	shalt  }
0x6b: {  	_ =	shalt  }
0x6c: {  	_ =	shalt  }
0x6d: {  	_ =	shalt  }
0x6e: {  	_ =	shalt  }
0x6f: {  	_ =	shalt  }
0x70: {  	_ =	shalt  }
0x71: {  	_ =	shalt  }
0x72: {  	_ =	shalt  }
0x73: {  	_ =	shalt  }
0x74: {  	_ =	shalt  }
0x75: {  	_ =	shalt  }
0x76: {  	_ =	shalt  }
0x77: {  	_ =	shalt  }
0x78: {  	_ =	shalt  }
0x79: {  	_ =	shalt  }
0x7a: {  	_ =	shalt  }
0x7b: {  	_ =	shalt  }
0x7c: {  	_ =	shalt  }
0x7d: {  	_ =	shalt  }
0x7e: {  	_ =	shalt  }
0x7f: {  	_ =	shalt  }
0x80: {  	_ =	shalt  }
0x81: {  	_ =	shalt  }
0x82: {  	_ =	shalt  }
0x83: {  	_ =	shalt  }
0x84: {  	_ =	shalt  }
0x85: {  	_ =	shalt  }
0x86: {  	_ =	shalt  }
0x87: {  	_ =	shalt  }
.Lfunc_end0:
.L_simem_size_0:
called_computation_lowered:
.L_overlay_start_0:
0x88: {  	s2 =	sld [smem:$0x3FD9]  }
0x89: {  	s3 =	sld [smem:$0x3FFE];
	_ =	sdelay $0x1  }
0x8a: {  	s1 =	srdreg.scid  }
0x8b: {  	s0 =	sand.u32 $0x1, s1  }
0x8c: {  	s18 =	sshll.u32 s0, $0xA;
	s2 =	sadd.s32 s3, s2  }
0x8d: {  	s2 =	sadd.s32 s2, s18  }
0x8e: {  	[smem:$0x3FC7] =	sst s2  }
0x8f: {  	_ = 	snop  }
0x90: {  	s2 =	sld [smem:$0x3FC9]  }
0x91: {  	s19 =	sld [smem:$0x3FD0];
	(tm) =	ssettm $0x1  }
0x92: {  	s4 =	sld [smem:$0x3FFB];
	_ =	sdelay $0x3  }
0x93: {  	_ =	strace s4  }
0x94: {  	s4 =	sld [smem:$0x3FFC];
	_ =	sdelay $0x3  }
0x95: {  	_ =	strace s4  }
0x96: {  	s4 =	sld [smem:$0x3FFD];
	_ =	sdelay $0x3  }
0x97: {  	_ =	strace s4  }
0x98: {  	_ =	strace $0x8FFFFFFF  }
0x99: {  	s20 =	sld [smem:$0x3FDB];
	_ =	sdelay $0x1  }
0x9a: {  	s5 =	simm.s32 $_scs_section_size  }
0x9b: {  	s6 =	simm.s32 $_size__tile_overlayer_lowered;
	s7 =	simm.s32 $_tile_overlayer_lowered  }
0x9c: {  	s23 =	simm.s32 $0x1BFF;
	s22 =	sshll.u32 s7, $0x1;
	s4 =	sadd.s32 s5, s20  }
0x9d: {  	s8 =	simm.s32 $0x0;
	s21 =	sshll.u32 s6, $0x1;
	s6 =	sadd.s32 s22, s4  }
0x9e: {  	[timem:s8], [sflag:s23] =	dma.local [hbm:s6], s21  }
0x9f: {  	_ =	swait.ge [sflag:s23], s21  }
0xa0: {  	s5 =	ssub.s32 $0x0, s21;
	[sflag:s23] =	ssyncset.done $0x0  }
0xa1: {  	[sflag:s23] =	ssyncadd.s32 s5;
	_ =	sdelay $0x1  }
0xa2: {  	s24 =	simm.s32 $0x1B8B  }
0xa3: {  	_ =	swait.ge [sflag:s24], $0x1  }
0xa4: {  	[sflag:s24] =	ssyncset.done $0x0  }
0xa5: {  	s25 =	simm.s32 $0x1B8E;
	[sflag:s24] =	ssyncadd.s32 $0xFFFFFFFF  }
0xa6: {  	s26 =	simm.s32 $execute0_lowered;
	[smem:$0x3FD2] =	sst s25  }
0xa7: {  	s5 =	sshll.u32 s26, $0x1;
	_ =	strace $0x80000046;
	[dreg:$0x1] =	wrdreg $0xFFFFFFFF  }
0xa8: {  	s28 =	simm.s32 $_size_execute0_lowered;
	s4 =	sadd.s32 s4, s5;
	[dreg:$0x0] =	wrdreg $0x0  }
0xa9: {  	s5 =	sshll.u32 s28, $0x1;
	[dreg:$0x2] =	wrdreg s4  }
0xaa: {  	[dreg:$0x3] =	wrdreg s5  }
0xab: {  	[dreg:$0x4] =	wrdreg $0xC0  }
0xac: {  	_ =	task [dreg:s8], $0x5FFFF  }
0xad: {  	[dreg:$0x1] =	wrdreg $0xFFFFFFFF  }
0xae: {  	[dreg:$0x0] =	wrdreg $0x60  }
0xaf: {  	[dreg:$0x2] =	wrdreg s2  }
0xb0: {  	[dreg:$0x3] =	wrdreg s19  }
0xb1: {  	[dreg:$0x4] =	wrdreg $0x9  }
0xb2: {  	_ =	task.clear_ibuf [dreg:s8], $0x5FFFF;
	_ =	strace $0x90000046  }
0xb3: {  	s29 =	simm.s32 $0x9;
	_ =	strace $0x80000048  }
0xb4: {  	_ =	swait.ge [sflag:s29], $0x1  }
0xb5: {  	[sflag:s29] =	ssyncadd.s32 $0xFFFFFFFF  }
0xb6: {  	_ =	strace $0x90000048  }
0xb7: {  	_ =	sfence  }
0xb8: {  	s30 =	sld [smem:$0x0];
	_ =	sdelay $0x2  }
0xb9: {  	s31 =	sshll.u32 s1, $0xD;
	s1 =	sshrl.u32 s1, $0x2  }
0xba: {  	s3 =	sand.u32 $0x4000, s31;
	s1 =	sadd.s32 s1, s30  }
0xbb: {  	s0 =	sor.u32 s3, s0;
	s1 =	sshll.u32 s1, $0x11  }
0xbc: {  	s0 =	sor.u32 s1, s0  }
0xbd: {  	s0 =	sadd.s32 $0x8F2B, s0  }
0xbe: {  	[sflag:s0] =	ssyncadd.remote.s32 $0x1  }
0xbf: {  	_ =	sfence.sel $0xFFFF  }
0xc0: {  	[dreg:$0x0] =	wrdreg $0xFFFFFFFF;
	(pc) =	sbr.abs _section_cstart, $3  }
0xc1: {  	[dreg:$0x1] =	wrdreg $0xFFFFFFFF  }
0xc2: {  	_ =	task.clear_ibuf [dreg:s8], $0x2FFFF;
	_ =	strace $0x9FFFFFFF  }
0xc3: {  	(tm) =	ssettm $0x7FFFFFFF  }
tec
execute0_lowered:
.L_overlay_start_1:
0x0: {  	(tag) =	ssettag $0x1  }
0x1: {  	s1 =	srdreg.scid  }
0x2: {  	s0 =	stileid.u32;
	s10 =	rddreg [dreg:$0x0]  }
0x3: {  	s9 =	rddreg [dreg:$0x1];
	s3 =	simm.s32 $0x0;
	s14 =	simm.s32 $0x5  }
0x4: {  	s4 =	sand.u32 $0x1, s1;
	s26 =	sshll.u32 s0, $0x1;
	s28 =	sshrl.u32 s0, $0x1  }
0x5: {  	s15 =	simm.s32 $0x6;
	s2 =	sor.u32 s4, s26;
	s6 =	smul.u32 $0x7A1400, s28  }
0x6: {  	s1 =	rddreg [dreg:$0x2];
	s5 =	sand.u32 $0x3, s2;
	s7 =	smul.u32 $0x7A1400, s2  }
0x7: {  	s16 =	simm.s32 $0x0;
	[smem:$0x7FF] =	sst s3;
	s5 =	smul.u32 $0x1E8000, s5  }
0x8: {  	p0 =	sgt.u32 s0, $0x3;
	_ =	strace $0x80000047;
	s4 =	ssub.s32 $0x2, s4  }
0x9: {  	s29 =	sshrl.u32 s4, $0x1;
	s30 =	sshrl.u32 s7, $0x3;
	s8 =	sadd.s32 s6, s5  }
0xa: {  	s12 =	ssub.s32 s4, s29;
	s7 =	sadd.s32 $0xF4000, s30;
	s11 =	sshrl.u32 s8, $0x3  }
0xb: {  	s5 =	sadd.s32 s10, s7;
	s13 =	sadd.s32 $0x8000, s8;
	s7 =	sadd.s32 s9, s7  }
0xc: {  	s8 =	smax.u32 s12, $0x1;
	s12 =	simm.s32 $0x7;
	s4 =	sadd.s32 s10, s11  }
0xd: {  	s31 =	sshrl.u32 s13, $0x3;
	s9 =	sadd.s32 s11, s9;
	s11 =	simm.s32 $0x4000  }
0xe: {  	s13 =	simm.s32 $0x8;
	s6 =	sadd.s32 $0x800, s4;
	s10 =	sadd.s32 s31, s10  }
.LBB2_1:
0xf: {  	s17 =	simm.s32 @!p0 $0x0;
	s18 =	simm.s32 @!p0 $0x10000;
	p1 =	por $0x0, $0x0  }
0x10: {  	[tilespmem:s18], [sflag:$0x9] =	stream.linear.gather @!p0 [hbm4b:s5+s17], $0x1400, $0x38;
	[tilespmem:$0x11400] =	vst v63  }
0x11: {  	s17 =	simm.s32 $0x2;
	p2 =	por @!p1 $0x1, $0x1  }
0x12: {  	s17 =	sand.u32 @!p1 $0x3, s17;
	p2 =	por p2, p1  }
0x13: {  	[tilespmem:s3], [sflag:$0x1] =	stream.linear.gather [hbm4b:s4+s3], $0x4000, $0x38;
	[tilespmem:$0x11400] =	vst v63  }
0x14: {  	s18 =	sadd.s32 @!p2 $0x5, s17  }
0x15: {  	[tilespmem:s11], [sflag:$0x2] =	stream.linear.gather [hbm4b:s6+s3], $0x4000, $0x38;
	[tilespmem:$0x11400] =	vst v63  }
0x16: {  	s21 =	sand.u32 $0x3, s3;
	_ =	swait.ge @!p2 [sflag:s18], $0x4000  }
0x17: {  	s20 =	simm.s32 @!p1 $0x0;
	s30 =	sadd.s32 $0x1, s21;
	[sflag:s18] =	ssyncset.done @!p2 $0x0  }
0x18: {  	s19 =	sadd.s32 @!p1 $0x1, s17;
	s17 =	sshll.u32 @!p1 s17, $0xE;
	[sflag:s18] =	ssyncadd.s32 @!p2 $0xFFFFC000  }
0x19: {  	[tilespmem:s17], [sflag:s19] =	stream.linear.gather @!p1 [hbm4b:s10+s20], $0x4000, $0x38;
	[tilespmem:$0x11400] =	vst v63  }
0x1a: {  	_ =	swait.ge [sflag:s30], $0x4000  }
0x1b: {  	s31 =	sor.u32 s2, s3;
	[sflag:s30] =	ssyncset.done $0x0  }
0x1c: {  	p2 =	sne.s32 s31, $0x0;
	[sflag:s30] =	ssyncadd.s32 $0xFFFFC000  }
0x1d: {  	v0 =	vld @!p2 [tilespmem:$0x0];
	_ =	sdelay $0x1  }
0x1e: {  	s23 =	sadd.s32 $0x5, s21;
	s24 =	sshll.u32 s21, $0xE;
	s21 =	smov.u32 s9  }
0x1f: {  	s18 =	simm.s32 $0x3;
	s17 =	simm.s32 $0x1;
	v1 =	vimm.f32 @!p2 $8.800000000e+01;
	vm0 =	vcmask @!p2 $0x704;
	p1 =	por $0x0, $0x0  }
0x20: {  	s20 =	simm.s32 $0x2;
	s19 =	sadd.s32 $0x800, s10;
	v1 =	vsel @!p2 vm0, $0x42C60000, v1;
	p3 =	por @!p1 $0x1, $0x1;
	vm0 =	vmmov @!p2 $0x3  }
0x21: {  	s22 =	sand.u32 @!p1 $0x3, s18;
	s18 =	smov.u32 s9;
	p4 =	por p3, p1;
	v0 =	vsel @!p2 vm0, v1, v0  }
.LBB2_2:
0x22: {  	s25 =	sadd.s32 @!p4 $0x5, s22  }
0x23: {  	[tilespmem:$0x0] =	vst @!p2 v0;
	s18 =	sadd.s32 $0x800, s18;
	s26 =	smov.u32 s20;
	s20 =	sadd.s32 $0x1, s20  }
0x24: {  	[hbm4b:s21+s3] =	stream.linear.scatter [tilespmem:s24], [sflag:s23], $0x4000, $0x38;
	[tilespmem:$0x11400] =	vst v63  }
0x25: {  	p3 =	sne.s32 s20, $0x7A;
	s21 =	sadd.s32 @!p1 $0x1, s22;
	_ =	swait.ge @!p4 [sflag:s25], $0x4000  }
0x26: {  	s23 =	simm.s32 @!p1 $0x0;
	s24 =	sand.u32 $0x3, s17;
	[sflag:s25] =	ssyncset.done @!p4 $0x0  }
0x27: {  	s22 =	sshll.u32 @!p1 s22, $0xE;
	[sflag:s25] =	ssyncadd.s32 @!p4 $0xFFFFC000;
	s25 =	sadd.s32 $0x1, s24  }
0x28: {  	[tilespmem:s22], [sflag:s21] =	stream.linear.gather @!p1 [hbm4b:s19+s23], $0x4000, $0x38;
	[tilespmem:$0x11400] =	vst v63  }
0x29: {  	s21 =	smov.u32 s18;
	_ =	swait.ge [sflag:s25], $0x4000  }
0x2a: {  	s22 =	sor.u32 s2, s17;
	s17 =	smov.u32 s26;
	[sflag:s25] =	ssyncset.done $0x0  }
0x2b: {  	p2 =	sne.s32 s22, $0x0;
	[sflag:s25] =	ssyncadd.s32 $0xFFFFC000  }
0x2c: {  	v1 =	vimm.f32 @!p2 $8.800000000e+01;
	vm0 =	vcmask @!p2 $0x704;
	v0 =	vld @!p2 [tilespmem:$0x0]  }
.Ltmp0:
0x2d: {  	v1 =	vsel @!p2 vm0, $0x42C60000, v1;
	(pc) =	sbr.rel @p3 .LBB2_2-.Ltmp0, $4  }
0x2e: {  	_ = 	snop  }
0x2f: {  	s19 =	sadd.s32 $0x800, s19;
	p1 =	sgt.u32 s17, $0x77  }
0x30: {  	s23 =	sadd.s32 $0x5, s24;
	s22 =	sadd.s32 $0x2, s17;
	p4 =	slt.u32 @!p1 s17, $0x2;
	vm0 =	vmmov @!p2 $0x3  }
0x31: {  	s24 =	sshll.u32 s24, $0xE;
	s22 =	sand.u32 @!p1 $0x3, s22;
	p4 =	por p4, p1;
	v0 =	vsel @!p2 vm0, v1, v0  }
0x32: {  	s20 =	sadd.s32 @!p4 $0x5, s22;
	[tilespmem:$0x0] =	vst @!p2 v0  }
0x33: {  	[hbm4b:s21+s3] =	stream.linear.scatter [tilespmem:s24], [sflag:s23], $0x4000, $0x38;
	[tilespmem:$0x11400] =	vst v63  }
0x34: {  	s25 =	sand.u32 $0x3, s17;
	_ =	swait.ge @!p4 [sflag:s20], $0x4000  }
0x35: {  	s21 =	sadd.s32 @!p1 $0x1, s22;
	s23 =	simm.s32 @!p1 $0x0;
	[sflag:s20] =	ssyncset.done @!p4 $0x0  }
0x36: {  	s26 =	sadd.s32 $0x1, s25;
	[sflag:s20] =	ssyncadd.s32 @!p4 $0xFFFFC000;
	s20 =	sshll.u32 @!p1 s22, $0xE  }
0x37: {  	[tilespmem:s20], [sflag:s21] =	stream.linear.gather @!p1 [hbm4b:s19+s23], $0x4000, $0x38;
	[tilespmem:$0x11400] =	vst v63  }
0x38: {  	_ =	swait.ge [sflag:s26], $0x4000  }
0x39: {  	s28 =	sor.u32 s2, s17;
	[sflag:s26] =	ssyncset.done $0x0  }
0x3a: {  	p1 =	sne.s32 s28, $0x0;
	[sflag:s26] =	ssyncadd.s32 $0xFFFFC000  }
0x3b: {  	v0 =	vld @!p1 [tilespmem:$0x0];
	_ =	sdelay $0x2  }
0x3c: {  	v1 =	vimm.f32 @!p1 $8.800000000e+01;
	vm0 =	vcmask @!p1 $0x704  }
0x3d: {  	v1 =	vsel @!p1 vm0, $0x42C60000, v1;
	vm0 =	vmmov @!p1 $0x3  }
0x3e: {  	v0 =	vsel @!p1 vm0, v1, v0  }
0x3f: {  	s29 =	sadd.s32 $0x800, s18;
	s30 =	sadd.s32 $0x5, s25;
	s31 =	sshll.u32 s25, $0xE;
	[tilespmem:$0x0] =	vst @!p1 v0  }
0x40: {  	[hbm4b:s29+s3] =	stream.linear.scatter [tilespmem:s31], [sflag:s30], $0x4000, $0x38;
	[tilespmem:$0x11400] =	vst v63  }
0x41: {  	_ =	swait.ge [sflag:s12], $0x4000  }
0x42: {  	[sflag:s12] =	ssyncset.done $0x0  }
0x43: {  	[sflag:s12] =	ssyncadd.s32 $0xFFFFC000  }
0x44: {  	_ =	swait.ge [sflag:s13], $0x4000  }
0x45: {  	[sflag:s13] =	ssyncset.done $0x0  }
0x46: {  	[sflag:s13] =	ssyncadd.s32 $0xFFFFC000  }
0x47: {  	_ =	swait.ge [sflag:s14], $0x4000  }
0x48: {  	[sflag:s14] =	ssyncset.done $0x0  }
0x49: {  	[sflag:s14] =	ssyncadd.s32 $0xFFFFC000  }
0x4a: {  	_ =	swait.ge [sflag:s15], $0x4000  }
0x4b: {  	[sflag:s15] =	ssyncset.done $0x0  }
0x4c: {  	s17 =	simm.s32 @!p0 $0x9;
	[sflag:s15] =	ssyncadd.s32 $0xFFFFC000  }
0x4d: {  	s16 =	sadd.s32 $0x1, s16;
	_ =	swait.ge @!p0 [sflag:s17], $0x1400  }
0x4e: {  	s18 =	simm.s32 @!p0 $0x0;
	p1 =	sne.s32 s16, s8;
	[sflag:s17] =	ssyncset.done @!p0 $0x0  }
.Ltmp1:
0x4f: {  	s19 =	simm.s32 @!p0 $0x10000;
	[sflag:s17] =	ssyncadd.s32 @!p0 $0xFFFFEC00;
	(pc) =	sbr.rel @p1 .LBB2_1-.Ltmp1, $4  }
0x50: {  	[hbm4b:s7+s18] =	stream.linear.scatter @!p0 [tilespmem:s19], [sflag:$0x9], $0x1400, $0x38;
	[tilespmem:$0x11400] =	vst v63  }
0x51: {  	_ =	swait.ge @!p0 [sflag:s17], $0x1400  }
0x52: {  	[sflag:s17] =	ssyncset.done @!p0 $0x0  }
0x53: {  	[sflag:s17] =	ssyncadd.s32 @!p0 $0xFFFFEC00  }
0x54: {  	_ =	sfence.sel $0x180000  }
0x55: {  	[bflag:$0x0] =	sbarrier.arrive $0xFFFF  }
0x56: {  	p0 =	sne.s32 s0, $0x0;
	_ =	strace $0x90000047  }
0x57: {  	s0 =	sadd.s32 @!p0 $0x100000, s1;
	[bflag:$0x2] =	sbarrier.arrive $0xFFFF  }
0x58: {  	[sflag:s0] =	ssyncadd.tile.s32 @!p0 $0x1;
	_ =	shalt  }
.Lfunc_end2:
_tile_overlayer_lowered:
.L_overlay_start_2:
0x59: {  	(tag) =	ssettag $0x2  }
0x5a: {  	s0 =	rddreg [dreg:$0x0];
	s2 =	stileid.u32  }
0x5b: {  	s1 =	rddreg [dreg:$0x1];
	p0 =	sne.s32 s2, $0x0  }
0x5c: {  	s3 =	rddreg [dreg:$0x2];
	[bflag:$0x3] =	sbarrier.arrive $0xFFFF;
	s2 =	simm.s32 @!p0 $0x1C0A  }
0x5d: {  	[timem:s3], [sflag:s2] =	dma.local @!p0 [hbm:s0], s1  }
0x5e: {  	s0 =	simm.s32 @!p0 $0xA  }
0x5f: {  	_ =	swait.ge @!p0 [sflag:s0], s1  }
0x60: {  	s1 =	ssub.s32 @!p0 $0x0, s1;
	[sflag:s0] =	ssyncset.done @!p0 $0x0  }
0x61: {  	[sflag:s0] =	ssyncadd.s32 @!p0 s1  }
0x62: {  	[bflag:$0x3] =	sbarrier.arrive $0xFFFF  }
0x63: {  	_ =	shalt  }

</sc_bundles>
